<compile_context>
chip_gen: v7x
topology: tpu7x:2x2x1
jax: 0.10.2.dev20260603
libtpu: 0.0.44.dev20260713+nightly
codegen_flags: <defaults>
</compile_context>

<pallas_src>
import functools

import jax
import jax.numpy as jnp
from jax import lax
from jax.experimental import pallas as pl
from jax.experimental.pallas import tpu as pltpu
from jax.experimental.pallas import tpu_sc as plsc

IN_CH = 256
HID = 256
NUM_CLASSES = 4


def _sc_neighbor_sum(seq_len, d, n_workers, nc):
    rpw = seq_len // n_workers

    mesh = plsc.VectorSubcoreMesh(core_axis_name="c", subcore_axis_name="s")

    @functools.partial(
        pl.kernel, mesh=mesh,
        out_type=(jax.ShapeDtypeStruct((seq_len, d), jnp.float32),
                  jax.ShapeDtypeStruct((seq_len, d), jnp.float32)),
        scratch_types=[
            pltpu.VMEM((rpw,), jnp.int32),
            pltpu.VMEM((rpw,), jnp.int32),
            pltpu.VMEM((rpw, d), jnp.float32),
            pltpu.VMEM((rpw, d), jnp.float32),
            pltpu.SemaphoreType.DMA,
            pltpu.SemaphoreType.DMA,
        ],
    )
    def sc_nbr(x_hbm, ip_hbm, in_hbm, yp_hbm, yn_hbm, ip_v, in_v, rp_v, rn_v,
               sem, sem2):
        wid = lax.axis_index("s") * nc + lax.axis_index("c")
        base = wid * rpw
        pltpu.sync_copy(ip_hbm.at[pl.ds(base, rpw)], ip_v)
        pltpu.sync_copy(in_hbm.at[pl.ds(base, rpw)], in_v)
        pltpu.async_copy(x_hbm.at[ip_v], rp_v, sem)
        pltpu.async_copy(x_hbm.at[in_v], rn_v, sem2)
        pltpu.make_async_copy(x_hbm.at[ip_v], rp_v, sem).wait()
        pltpu.make_async_copy(x_hbm.at[in_v], rn_v, sem2).wait()
        pltpu.sync_copy(rp_v, yp_hbm.at[pl.ds(base, rpw)])
        pltpu.sync_copy(rn_v, yn_hbm.at[pl.ds(base, rpw)])

    return sc_nbr


def _plain_block_kernel(x_ref, w1_ref, b1_ref, part_ref, *, blk):
    xb = x_ref[...]
    ones = jnp.ones((8, blk), jnp.float32)
    h = jnp.maximum(
        jnp.dot(xb, w1_ref[...], preferred_element_type=jnp.float32)
        + b1_ref[...], 0.0)
    part_ref[...] = jnp.dot(ones, h, preferred_element_type=jnp.float32)


def _chain_final_kernel(x_ref, yp_ref, yn_ref, w1_ref, b1_ref, parts_ref,
                        w2_ref, b2_ref, out_ref, *, blk, seq_len, n_total,
                        n_parts):
    xb = x_ref[...]
    w1 = w1_ref[...]
    b1 = b1_ref[...]
    ones = jnp.ones((8, seq_len), jnp.float32)

    y0 = xb[:seq_len, :] + 0.5 * (yp_ref[...] + yn_ref[...])
    h0 = jnp.maximum(
        jnp.dot(y0, w1, preferred_element_type=jnp.float32) + b1, 0.0)
    total = jnp.dot(ones, h0, preferred_element_type=jnp.float32)

    h1 = jnp.maximum(
        jnp.dot(xb[seq_len:, :], w1, preferred_element_type=jnp.float32)
        + b1, 0.0)
    ones1 = jnp.ones((8, blk - seq_len), jnp.float32)
    total += jnp.dot(ones1, h1, preferred_element_type=jnp.float32)

    for i in range(n_parts):
        total += parts_ref[8 * i:8 * (i + 1), :]

    pooled = total / jnp.float32(n_total)
    out_ref[...] = (jnp.dot(pooled, w2_ref[...],
                            preferred_element_type=jnp.float32)
                    + b2_ref[...])


def kernel(x, W1, b1, W2, b2):
    batch, seq_len, d = x.shape
    xf = x.reshape(-1, d)
    n = xf.shape[0]
    blk = 2 * seq_len
    nblocks = n // blk
    rep = 8

    hid = W1.shape[1]
    ncls = W2.shape[1]
    w2p = jnp.zeros((hid, 128), W2.dtype).at[:, :ncls].set(W2)
    b2p = jnp.zeros((128,), b2.dtype).at[:ncls].set(b2)

    ar = jnp.arange(seq_len, dtype=jnp.int32)
    idx_prev = jnp.abs(ar - 1)
    idx_next = (seq_len - 1) - jnp.abs((seq_len - 2) - ar)

    info = plsc.get_sparse_core_info()
    n_workers = info.num_cores * info.num_subcores
    yp, yn = _sc_neighbor_sum(seq_len, d, n_workers, info.num_cores)(
        xf, idx_prev, idx_next)

    parts = pl.pallas_call(
        functools.partial(_plain_block_kernel, blk=blk),
        grid=(nblocks - 1,),
        in_specs=[
            pl.BlockSpec((blk, d), lambda k: (k + 1, 0)),
            pl.BlockSpec((d, hid), lambda k: (0, 0)),
            pl.BlockSpec((hid,), lambda k: (0,)),
        ],
        out_specs=pl.BlockSpec((rep, hid), lambda k: (k, 0)),
        out_shape=jax.ShapeDtypeStruct(((nblocks - 1) * rep, hid),
                                       jnp.float32),
    )(xf, W1, b1)

    out = pl.pallas_call(
        functools.partial(_chain_final_kernel, blk=blk, seq_len=seq_len,
                          n_total=n, n_parts=nblocks - 1),
        grid=(1,),
        in_specs=[
            pl.BlockSpec((blk, d), lambda k: (0, 0)),
            pl.BlockSpec((seq_len, d), lambda k: (0, 0)),
            pl.BlockSpec((seq_len, d), lambda k: (0, 0)),
            pl.BlockSpec((d, hid), lambda k: (0, 0)),
            pl.BlockSpec((hid,), lambda k: (0,)),
            pl.BlockSpec(((nblocks - 1) * rep, hid), lambda k: (0, 0)),
            pl.BlockSpec((hid, 128), lambda k: (0, 0)),
            pl.BlockSpec((128,), lambda k: (0,)),
        ],
        out_specs=pl.BlockSpec((8, 128), lambda k: (0, 0)),
        out_shape=jax.ShapeDtypeStruct((8, 128), jnp.float32),
    )(xf, yp, yn, W1, b1, parts, w2p, b2p)
    return out[0:1, :ncls]

# --- scband reference (transcript-rebuilt; emitter-appended) ---
"""Pipeline reference for scband-onnxsquat-classifier-45999099740721 (READ-ONLY COPY).

The authoritative reference and input builder live on the scoring server;
editing this copy changes nothing except your own understanding.
"""

import jax, jax.numpy as jnp
import numpy as np

IN_CH = 256
HID = 256
NUM_CLASSES = 4


def _build_edge_index(seq_len):
    pairs = []
    for i in range(seq_len - 1):
        pairs.extend([[i, i + 1], [i + 1, i]])
    return np.asarray(pairs, dtype=np.int32).T  # [2, E]


def setup_inputs(seed: int = 0) -> dict:
    key = jax.random.key(seed)
    k1, k2, k3 = jax.random.split(key, 3)
    x = jax.random.normal(k1, (8, 4096, IN_CH), dtype=jnp.float32)
    W1 = jax.random.normal(k2, (IN_CH, HID), dtype=jnp.float32) * 0.05
    b1 = jnp.zeros((HID,), dtype=jnp.float32)
    W2 = jax.random.normal(k3, (HID, NUM_CLASSES), dtype=jnp.float32) * 0.05
    b2 = jnp.zeros((NUM_CLASSES,), dtype=jnp.float32)
    return {"x": x, "W1": W1, "b1": b1, "W2": W2, "b2": b2}


def reference(x, W1, b1, W2, b2):
    batch_size, seq_len, _ = x.shape
    edge_index = jnp.asarray(_build_edge_index(seq_len))  # chain graph over seq_len nodes (faithful to original, which only wires the first seq_len nodes)
    xf = x.reshape(-1, x.shape[-1])  # [B*S, D]
    N = xf.shape[0]
    batch = jnp.zeros((N,), dtype=jnp.int32)  # all nodes assigned to graph 0, as in original
    src, dst = edge_index[0], edge_index[1]
    # GCN-style mean aggregation via gather + scatter-add
    msgs = jnp.take(xf, src, axis=0)
    agg = jax.ops.segment_sum(msgs, dst, num_segments=N)
    deg = jax.ops.segment_sum(jnp.ones_like(src, dtype=xf.dtype), dst, num_segments=N)
    agg = agg / jnp.maximum(deg, 1.0)[:, None]
    h = jax.nn.relu((xf + agg) @ W1 + b1)
    # global mean pool by batch vector (single graph)
    pooled = jax.ops.segment_sum(h, batch, num_segments=1)
    counts = jax.ops.segment_sum(jnp.ones((N,), dtype=h.dtype), batch, num_segments=1)
    pooled = pooled / counts[:, None]
    logits = pooled @ W2 + b2
    return logits

if __name__ == "__main__":
    import jax
    _d = setup_inputs()
    print(jax.jit(kernel)(*tuple(_d.values())))

</pallas_src>

<mosaic_0001>
#map = affine_map<(d0, d1) -> (0, 0)>
#map1 = affine_map<(d0, d1) -> (0)>
module attributes {stable_mosaic.version = 14 : i64} {
  func.func @sc_nbr(%arg0: i32, %arg1: i32, %arg2: memref<32768x256xf32, #tpu.memory_space<hbm>>, %arg3: memref<4096xi32, #tpu.memory_space<hbm>>, %arg4: memref<4096xi32, #tpu.memory_space<hbm>>, %arg5: memref<4096x256xf32, #tpu.memory_space<hbm>>, %arg6: memref<4096x256xf32, #tpu.memory_space<hbm>>, %arg7: memref<128xi32, #tpu.memory_space<vmem>>, %arg8: memref<128xi32, #tpu.memory_space<vmem>>, %arg9: memref<128x256xf32, #tpu.memory_space<vmem>>, %arg10: memref<128x256xf32, #tpu.memory_space<vmem>>, %arg11: memref<!tpu.dma_semaphore, #tpu.memory_space<semaphore_mem>>, %arg12: memref<!tpu.dma_semaphore, #tpu.memory_space<semaphore_mem>>) attributes {dimension_semantics = [#tpu.dimension_semantics<core_parallel>, #tpu.dimension_semantics<subcore_parallel>], iteration_bounds = array<i64: 2, 16>, scalar_prefetch = 0 : i64, scratch_operands = 6 : i64, tpu.core_type = #tpu.core_type<sc_vector_subcore>, window_params = [{transform_indices = #map}, {transform_indices = #map1}, {transform_indices = #map1}, {transform_indices = #map}, {transform_indices = #map}]} {
    %mul3A = arith.constant 2 : i32
    %mul3A_0 = arith.muli %arg1, %mul3A : i32
    %add3A = arith.addi %mul3A_0, %arg0 : i32
    %mul3A_1 = arith.constant 128 : i32
    %mul3A_2 = arith.muli %add3A, %mul3A_1 : i32
    "tpu.region"() ({
      %run_scoped3A = tpu.sem_alloc : memref<!tpu.dma_semaphore, #tpu.memory_space<semaphore_mem>>
      %dma_start3A_13 = tpu.memref_slice %arg3[%mul3A_2] : memref<4096xi32, #tpu.memory_space<hbm>> -> memref<128xi32, #tpu.memory_space<hbm>>
      %dma_start3A_14 = tpu.memref_slice %arg3[%mul3A_2] : memref<4096xi32, #tpu.memory_space<hbm>> -> memref<128xi32, #tpu.memory_space<hbm>>
      tpu.enqueue_dma source(%dma_start3A_14 : memref<128xi32, #tpu.memory_space<hbm>>) target(%arg7 : memref<128xi32, #tpu.memory_space<vmem>>) target_semaphore(%run_scoped3A : memref<!tpu.dma_semaphore, #tpu.memory_space<semaphore_mem>>)
      %dma_wait3A_15 = tpu.memref_slice %arg3[%mul3A_2] : memref<4096xi32, #tpu.memory_space<hbm>> -> memref<128xi32, #tpu.memory_space<hbm>>
      %dma_wait3A_16 = tpu.memref_slice %arg3[%mul3A_2] : memref<4096xi32, #tpu.memory_space<hbm>> -> memref<128xi32, #tpu.memory_space<hbm>>
      tpu.wait_dma2 semaphore(%run_scoped3A : memref<!tpu.dma_semaphore, #tpu.memory_space<semaphore_mem>>) src(%dma_wait3A_16 : memref<128xi32, #tpu.memory_space<hbm>>) dst(%arg7 : memref<128xi32, #tpu.memory_space<vmem>>)
      tpu.yield
    }) : () -> ()
    "tpu.region"() ({
      %run_scoped3A = tpu.sem_alloc : memref<!tpu.dma_semaphore, #tpu.memory_space<semaphore_mem>>
      %dma_start3A_13 = tpu.memref_slice %arg4[%mul3A_2] : memref<4096xi32, #tpu.memory_space<hbm>> -> memref<128xi32, #tpu.memory_space<hbm>>
      %dma_start3A_14 = tpu.memref_slice %arg4[%mul3A_2] : memref<4096xi32, #tpu.memory_space<hbm>> -> memref<128xi32, #tpu.memory_space<hbm>>
      tpu.enqueue_dma source(%dma_start3A_14 : memref<128xi32, #tpu.memory_space<hbm>>) target(%arg8 : memref<128xi32, #tpu.memory_space<vmem>>) target_semaphore(%run_scoped3A : memref<!tpu.dma_semaphore, #tpu.memory_space<semaphore_mem>>)
      %dma_wait3A_15 = tpu.memref_slice %arg4[%mul3A_2] : memref<4096xi32, #tpu.memory_space<hbm>> -> memref<128xi32, #tpu.memory_space<hbm>>
      %dma_wait3A_16 = tpu.memref_slice %arg4[%mul3A_2] : memref<4096xi32, #tpu.memory_space<hbm>> -> memref<128xi32, #tpu.memory_space<hbm>>
      tpu.wait_dma2 semaphore(%run_scoped3A : memref<!tpu.dma_semaphore, #tpu.memory_space<semaphore_mem>>) src(%dma_wait3A_16 : memref<128xi32, #tpu.memory_space<hbm>>) dst(%arg8 : memref<128xi32, #tpu.memory_space<vmem>>)
      tpu.yield
    }) : () -> ()
    %dma_start3A = arith.constant 0 : i32
    %dma_start3A_3 = arith.constant 0 : i32
    %dma_start3A_4 = tpu.memref_slice %arg2[%dma_start3A, %dma_start3A_3] : memref<32768x256xf32, #tpu.memory_space<hbm>> -> memref<32768x256xf32, #tpu.memory_space<hbm>>
    tpu.enqueue_indirect_dma source(%dma_start3A_4 : memref<32768x256xf32, #tpu.memory_space<hbm>>) target(%arg9 : memref<128x256xf32, #tpu.memory_space<vmem>>) offsets(%arg7 : memref<128xi32, #tpu.memory_space<vmem>>) semaphore(%arg11 : memref<!tpu.dma_semaphore, #tpu.memory_space<semaphore_mem>>)
    %dma_start3A_5 = arith.constant 0 : i32
    %dma_start3A_6 = arith.constant 0 : i32
    %dma_start3A_7 = tpu.memref_slice %arg2[%dma_start3A_5, %dma_start3A_6] : memref<32768x256xf32, #tpu.memory_space<hbm>> -> memref<32768x256xf32, #tpu.memory_space<hbm>>
    tpu.enqueue_indirect_dma source(%dma_start3A_7 : memref<32768x256xf32, #tpu.memory_space<hbm>>) target(%arg10 : memref<128x256xf32, #tpu.memory_space<vmem>>) offsets(%arg8 : memref<128xi32, #tpu.memory_space<vmem>>) semaphore(%arg12 : memref<!tpu.dma_semaphore, #tpu.memory_space<semaphore_mem>>)
    %dma_wait3A = arith.constant 0 : i32
    %dma_wait3A_8 = arith.constant 0 : i32
    %dma_wait3A_9 = tpu.memref_slice %arg2[%dma_wait3A, %dma_wait3A_8] : memref<32768x256xf32, #tpu.memory_space<hbm>> -> memref<32768x256xf32, #tpu.memory_space<hbm>>
    tpu.wait_indirect_dma semaphore(%arg11 : memref<!tpu.dma_semaphore, #tpu.memory_space<semaphore_mem>>) src(%dma_wait3A_9 : memref<32768x256xf32, #tpu.memory_space<hbm>>) dst(%arg9 : memref<128x256xf32, #tpu.memory_space<vmem>>)
    %dma_wait3A_10 = arith.constant 0 : i32
    %dma_wait3A_11 = arith.constant 0 : i32
    %dma_wait3A_12 = tpu.memref_slice %arg2[%dma_wait3A_10, %dma_wait3A_11] : memref<32768x256xf32, #tpu.memory_space<hbm>> -> memref<32768x256xf32, #tpu.memory_space<hbm>>
    tpu.wait_indirect_dma semaphore(%arg12 : memref<!tpu.dma_semaphore, #tpu.memory_space<semaphore_mem>>) src(%dma_wait3A_12 : memref<32768x256xf32, #tpu.memory_space<hbm>>) dst(%arg10 : memref<128x256xf32, #tpu.memory_space<vmem>>)
    "tpu.region"() ({
      %run_scoped3A = tpu.sem_alloc : memref<!tpu.dma_semaphore, #tpu.memory_space<semaphore_mem>>
      %dma_start3A_13 = arith.constant 0 : i32
      %dma_start3A_14 = tpu.memref_slice %arg5[%mul3A_2, %dma_start3A_13] : memref<4096x256xf32, #tpu.memory_space<hbm>> -> memref<128x256xf32, #tpu.memory_space<hbm>>
      %dma_start3A_15 = arith.constant 0 : i32
      %dma_start3A_16 = tpu.memref_slice %arg5[%mul3A_2, %dma_start3A_15] : memref<4096x256xf32, #tpu.memory_space<hbm>> -> memref<128x256xf32, #tpu.memory_space<hbm>>
      tpu.enqueue_dma source(%arg9 : memref<128x256xf32, #tpu.memory_space<vmem>>) target(%dma_start3A_16 : memref<128x256xf32, #tpu.memory_space<hbm>>) target_semaphore(%run_scoped3A : memref<!tpu.dma_semaphore, #tpu.memory_space<semaphore_mem>>)
      %dma_wait3A_17 = arith.constant 0 : i32
      %dma_wait3A_18 = tpu.memref_slice %arg5[%mul3A_2, %dma_wait3A_17] : memref<4096x256xf32, #tpu.memory_space<hbm>> -> memref<128x256xf32, #tpu.memory_space<hbm>>
      %dma_wait3A_19 = arith.constant 0 : i32
      %dma_wait3A_20 = tpu.memref_slice %arg5[%mul3A_2, %dma_wait3A_19] : memref<4096x256xf32, #tpu.memory_space<hbm>> -> memref<128x256xf32, #tpu.memory_space<hbm>>
      tpu.wait_dma2 semaphore(%run_scoped3A : memref<!tpu.dma_semaphore, #tpu.memory_space<semaphore_mem>>) src(%arg9 : memref<128x256xf32, #tpu.memory_space<vmem>>) dst(%dma_wait3A_20 : memref<128x256xf32, #tpu.memory_space<hbm>>)
      tpu.yield
    }) : () -> ()
    "tpu.region"() ({
      %run_scoped3A = tpu.sem_alloc : memref<!tpu.dma_semaphore, #tpu.memory_space<semaphore_mem>>
      %dma_start3A_13 = arith.constant 0 : i32
      %dma_start3A_14 = tpu.memref_slice %arg6[%mul3A_2, %dma_start3A_13] : memref<4096x256xf32, #tpu.memory_space<hbm>> -> memref<128x256xf32, #tpu.memory_space<hbm>>
      %dma_start3A_15 = arith.constant 0 : i32
      %dma_start3A_16 = tpu.memref_slice %arg6[%mul3A_2, %dma_start3A_15] : memref<4096x256xf32, #tpu.memory_space<hbm>> -> memref<128x256xf32, #tpu.memory_space<hbm>>
      tpu.enqueue_dma source(%arg10 : memref<128x256xf32, #tpu.memory_space<vmem>>) target(%dma_start3A_16 : memref<128x256xf32, #tpu.memory_space<hbm>>) target_semaphore(%run_scoped3A : memref<!tpu.dma_semaphore, #tpu.memory_space<semaphore_mem>>)
      %dma_wait3A_17 = arith.constant 0 : i32
      %dma_wait3A_18 = tpu.memref_slice %arg6[%mul3A_2, %dma_wait3A_17] : memref<4096x256xf32, #tpu.memory_space<hbm>> -> memref<128x256xf32, #tpu.memory_space<hbm>>
      %dma_wait3A_19 = arith.constant 0 : i32
      %dma_wait3A_20 = tpu.memref_slice %arg6[%mul3A_2, %dma_wait3A_19] : memref<4096x256xf32, #tpu.memory_space<hbm>> -> memref<128x256xf32, #tpu.memory_space<hbm>>
      tpu.wait_dma2 semaphore(%run_scoped3A : memref<!tpu.dma_semaphore, #tpu.memory_space<semaphore_mem>>) src(%arg10 : memref<128x256xf32, #tpu.memory_space<vmem>>) dst(%dma_wait3A_20 : memref<128x256xf32, #tpu.memory_space<hbm>>)
      tpu.yield
    }) : () -> ()
    return
  }
}

module attributes {stable_mosaic.version = 14 : i64} {
  func.func @_chain_final_kernel(%arg0: i32, %arg1: memref<8192x256xf32, #tpu.memory_space<vmem>>, %arg2: memref<4096x256xf32, #tpu.memory_space<vmem>>, %arg3: memref<4096x256xf32, #tpu.memory_space<vmem>>, %arg4: memref<256x256xf32, #tpu.memory_space<vmem>>, %arg5: memref<256xf32, #tpu.memory_space<vmem>>, %arg6: memref<24x256xf32, #tpu.memory_space<vmem>>, %arg7: memref<256x128xf32, #tpu.memory_space<vmem>>, %arg8: memref<128xf32, #tpu.memory_space<vmem>>, %arg9: memref<8x128xf32, #tpu.memory_space<vmem>>) attributes {dimension_semantics = [#tpu.dimension_semantics<arbitrary>], iteration_bounds = array<i64: 1>, scalar_prefetch = 0 : i64, scratch_operands = 0 : i64, tpu.core_type = #tpu.core_type<tc>, window_params = [{transform_indices = @transform_0, window_bounds = array<i64: 8192, 256>}, {pipeline_mode = #tpu.pipeline_mode<synchronous>, transform_indices = @transform_1, window_bounds = array<i64: 4096, 256>}, {pipeline_mode = #tpu.pipeline_mode<synchronous>, transform_indices = @transform_2, window_bounds = array<i64: 4096, 256>}, {pipeline_mode = #tpu.pipeline_mode<synchronous>, transform_indices = @transform_3, window_bounds = array<i64: 256, 256>}, {pipeline_mode = #tpu.pipeline_mode<synchronous>, transform_indices = @transform_4, window_bounds = array<i64: 256>}, {pipeline_mode = #tpu.pipeline_mode<synchronous>, transform_indices = @transform_5, window_bounds = array<i64: 24, 256>}, {pipeline_mode = #tpu.pipeline_mode<synchronous>, transform_indices = @transform_6, window_bounds = array<i64: 256, 128>}, {pipeline_mode = #tpu.pipeline_mode<synchronous>, transform_indices = @transform_7, window_bounds = array<i64: 128>}, {pipeline_mode = #tpu.pipeline_mode<synchronous>, transform_indices = @transform_8, window_bounds = array<i64: 8, 128>}]} {
    %get3A = arith.constant 0 : index
    %get3A_0 = arith.constant 0 : index
    %get3A_1 = vector.load %arg1[%get3A, %get3A_0] : memref<8192x256xf32, #tpu.memory_space<vmem>>, vector<8192x256xf32>
    %get3A_2 = arith.constant 0 : index
    %get3A_3 = arith.constant 0 : index
    %get3A_4 = vector.load %arg4[%get3A_2, %get3A_3] : memref<256x256xf32, #tpu.memory_space<vmem>>, vector<256x256xf32>
    %get3A_5 = arith.constant 0 : index
    %get3A_6 = vector.load %arg5[%get3A_5] : memref<256xf32, #tpu.memory_space<vmem>>, vector<256xf32>
    %broadcast_in_dim3A = arith.constant 1.000000e+00 : f32
    %broadcast_in_dim3A_7 = vector.broadcast %broadcast_in_dim3A : f32 to vector<8x4096xf32>
    %slice3A = vector.extract_strided_slice %get3A_1 {offsets = [0, 0], sizes = [4096, 256], strides = [1, 1]} : vector<8192x256xf32> to vector<4096x256xf32>
    %get3A_8 = arith.constant 0 : index
    %get3A_9 = arith.constant 0 : index
    %get3A_10 = vector.load %arg2[%get3A_8, %get3A_9] : memref<4096x256xf32, #tpu.memory_space<vmem>>, vector<4096x256xf32>
    %get3A_11 = arith.constant 0 : index
    %get3A_12 = arith.constant 0 : index
    %get3A_13 = vector.load %arg3[%get3A_11, %get3A_12] : memref<4096x256xf32, #tpu.memory_space<vmem>>, vector<4096x256xf32>
    %add3A = arith.addf %get3A_10, %get3A_13 : vector<4096x256xf32>
    %mul3A = arith.constant 5.000000e-01 : f32
    %mul3A_14 = vector.broadcast %mul3A : f32 to vector<4096x256xf32>
    %mul3A_15 = arith.mulf %mul3A_14, %add3A : vector<4096x256xf32>
    %add3A_16 = arith.addf %slice3A, %mul3A_15 : vector<4096x256xf32>
    %dot_general3A = arith.constant dense<0.000000e+00> : vector<4096x256xf32>
    %dot_general3A_17 = tpu.matmul %add3A_16, %get3A_4, %dot_general3A {dimension_numbers = #tpu.dot_dimension_numbers<[1], [0], [0], [1], [0, 0, 1, 1], [], []>, transpose_lhs_hint = false} : vector<4096x256xf32>, vector<256x256xf32>, vector<4096x256xf32> -> vector<4096x256xf32>
    %broadcast_in_dim3A_18 = vector.shape_cast %get3A_6 : vector<256xf32> to vector<1x256xf32>
    %add3A_19 = vector.broadcast %broadcast_in_dim3A_18 : vector<1x256xf32> to vector<4096x256xf32>
    %add3A_20 = arith.addf %dot_general3A_17, %add3A_19 : vector<4096x256xf32>
    %max3A = arith.constant 0.000000e+00 : f32
    %max3A_21 = vector.broadcast %max3A : f32 to vector<4096x256xf32>
    %max3A_22 = arith.maximumf %add3A_20, %max3A_21 : vector<4096x256xf32>
    %dot_general3A_23 = arith.constant dense<0.000000e+00> : vector<8x256xf32>
    %dot_general3A_24 = tpu.matmul %broadcast_in_dim3A_7, %max3A_22, %dot_general3A_23 {dimension_numbers = #tpu.dot_dimension_numbers<[1], [0], [0], [1], [0, 0, 1, 1], [], []>, transpose_lhs_hint = false} : vector<8x4096xf32>, vector<4096x256xf32>, vector<8x256xf32> -> vector<8x256xf32>
    %slice3A_25 = vector.extract_strided_slice %get3A_1 {offsets = [4096, 0], sizes = [4096, 256], strides = [1, 1]} : vector<8192x256xf32> to vector<4096x256xf32>
    %dot_general3A_26 = arith.constant dense<0.000000e+00> : vector<4096x256xf32>
    %dot_general3A_27 = tpu.matmul %slice3A_25, %get3A_4, %dot_general3A_26 {dimension_numbers = #tpu.dot_dimension_numbers<[1], [0], [0], [1], [0, 0, 1, 1], [], []>, transpose_lhs_hint = false} : vector<4096x256xf32>, vector<256x256xf32>, vector<4096x256xf32> -> vector<4096x256xf32>
    %broadcast_in_dim3A_28 = vector.shape_cast %get3A_6 : vector<256xf32> to vector<1x256xf32>
    %add3A_29 = vector.broadcast %broadcast_in_dim3A_28 : vector<1x256xf32> to vector<4096x256xf32>
    %add3A_30 = arith.addf %dot_general3A_27, %add3A_29 : vector<4096x256xf32>
    %max3A_31 = arith.constant 0.000000e+00 : f32
    %max3A_32 = vector.broadcast %max3A_31 : f32 to vector<4096x256xf32>
    %max3A_33 = arith.maximumf %add3A_30, %max3A_32 : vector<4096x256xf32>
    %broadcast_in_dim3A_34 = arith.constant 1.000000e+00 : f32
    %broadcast_in_dim3A_35 = vector.broadcast %broadcast_in_dim3A_34 : f32 to vector<8x4096xf32>
    %dot_general3A_36 = arith.constant dense<0.000000e+00> : vector<8x256xf32>
    %dot_general3A_37 = tpu.matmul %broadcast_in_dim3A_35, %max3A_33, %dot_general3A_36 {dimension_numbers = #tpu.dot_dimension_numbers<[1], [0], [0], [1], [0, 0, 1, 1], [], []>, transpose_lhs_hint = false} : vector<8x4096xf32>, vector<4096x256xf32>, vector<8x256xf32> -> vector<8x256xf32>
    %add3A_38 = arith.addf %dot_general3A_24, %dot_general3A_37 : vector<8x256xf32>
    %get3A_39 = arith.constant 0 : index
    %get3A_40 = arith.constant 0 : index
    %get3A_41 = vector.load %arg6[%get3A_39, %get3A_40] : memref<24x256xf32, #tpu.memory_space<vmem>>, vector<8x256xf32>
    %add3A_42 = arith.addf %add3A_38, %get3A_41 : vector<8x256xf32>
    %get3A_43 = arith.constant 8 : index
    %get3A_44 = arith.constant 0 : index
    %get3A_45 = vector.load %arg6[%get3A_43, %get3A_44] : memref<24x256xf32, #tpu.memory_space<vmem>>, vector<8x256xf32>
    %add3A_46 = arith.addf %add3A_42, %get3A_45 : vector<8x256xf32>
    %get3A_47 = arith.constant 16 : index
    %get3A_48 = arith.constant 0 : index
    %get3A_49 = vector.load %arg6[%get3A_47, %get3A_48] : memref<24x256xf32, #tpu.memory_space<vmem>>, vector<8x256xf32>
    %add3A_50 = arith.addf %add3A_46, %get3A_49 : vector<8x256xf32>
    %div3A = arith.constant 3.276800e+04 : f32
    %div3A_51 = vector.broadcast %div3A : f32 to vector<8x256xf32>
    %div3A_52 = arith.divf %add3A_50, %div3A_51 : vector<8x256xf32>
    %get3A_53 = arith.constant 0 : index
    %get3A_54 = arith.constant 0 : index
    %get3A_55 = vector.load %arg7[%get3A_53, %get3A_54] : memref<256x128xf32, #tpu.memory_space<vmem>>, vector<256x128xf32>
    %dot_general3A_56 = arith.constant dense<0.000000e+00> : vector<8x128xf32>
    %dot_general3A_57 = tpu.matmul %div3A_52, %get3A_55, %dot_general3A_56 {dimension_numbers = #tpu.dot_dimension_numbers<[1], [0], [0], [1], [0, 0, 1, 1], [], []>, transpose_lhs_hint = false} : vector<8x256xf32>, vector<256x128xf32>, vector<8x128xf32> -> vector<8x128xf32>
    %get3A_58 = arith.constant 0 : index
    %get3A_59 = vector.load %arg8[%get3A_58] : memref<128xf32, #tpu.memory_space<vmem>>, vector<128xf32>
    %broadcast_in_dim3A_60 = vector.shape_cast %get3A_59 : vector<128xf32> to vector<1x128xf32>
    %add3A_61 = vector.broadcast %broadcast_in_dim3A_60 : vector<1x128xf32> to vector<8x128xf32>
    %add3A_62 = arith.addf %dot_general3A_57, %add3A_61 : vector<8x128xf32>
    %swap3A = arith.constant 0 : index
    %swap3A_63 = arith.constant 0 : index
    %swap3A_64 = vector.load %arg9[%swap3A, %swap3A_63] : memref<8x128xf32, #tpu.memory_space<vmem>>, vector<8x128xf32>
    tpu.vector_store %arg9[%swap3A, %swap3A_63], %add3A_62 {strides = array<i32>} : memref<8x128xf32, #tpu.memory_space<vmem>>, vector<8x128xf32>,
    return
  }
  func.func @transform_0(%arg0: i32) -> (i32, i32) {
    %c0_i32 = arith.constant 0 : i32
    %c0_i32_0 = arith.constant 0 : i32
    %c0_i32_1 = arith.constant 0 : i32
    return %c0_i32, %c0_i32_0 : i32, i32
  }
  func.func @transform_1(%arg0: i32) -> (i32, i32) {
    %c0_i32 = arith.constant 0 : i32
    %c0_i32_0 = arith.constant 0 : i32
    %c0_i32_1 = arith.constant 0 : i32
    return %c0_i32, %c0_i32_0 : i32, i32
  }
  func.func @transform_2(%arg0: i32) -> (i32, i32) {
    %c0_i32 = arith.constant 0 : i32
    %c0_i32_0 = arith.constant 0 : i32
    %c0_i32_1 = arith.constant 0 : i32
    return %c0_i32, %c0_i32_0 : i32, i32
  }
  func.func @transform_3(%arg0: i32) -> (i32, i32) {
    %c0_i32 = arith.constant 0 : i32
    %c0_i32_0 = arith.constant 0 : i32
    %c0_i32_1 = arith.constant 0 : i32
    return %c0_i32, %c0_i32_0 : i32, i32
  }
  func.func @transform_4(%arg0: i32) -> i32 {
    %c0_i32 = arith.constant 0 : i32
    %c0_i32_0 = arith.constant 0 : i32
    return %c0_i32 : i32
  }
  func.func @transform_5(%arg0: i32) -> (i32, i32) {
    %c0_i32 = arith.constant 0 : i32
    %c0_i32_0 = arith.constant 0 : i32
    %c0_i32_1 = arith.constant 0 : i32
    return %c0_i32, %c0_i32_0 : i32, i32
  }
  func.func @transform_6(%arg0: i32) -> (i32, i32) {
    %c0_i32 = arith.constant 0 : i32
    %c0_i32_0 = arith.constant 0 : i32
    %c0_i32_1 = arith.constant 0 : i32
    return %c0_i32, %c0_i32_0 : i32, i32
  }
  func.func @transform_7(%arg0: i32) -> i32 {
    %c0_i32 = arith.constant 0 : i32
    %c0_i32_0 = arith.constant 0 : i32
    return %c0_i32 : i32
  }
  func.func @transform_8(%arg0: i32) -> (i32, i32) {
    %c0_i32 = arith.constant 0 : i32
    %c0_i32_0 = arith.constant 0 : i32
    %c0_i32_1 = arith.constant 0 : i32
    return %c0_i32, %c0_i32_0 : i32, i32
  }
}

module attributes {stable_mosaic.version = 14 : i64} {
  func.func @_plain_block_kernel(%arg0: i32, %arg1: memref<8192x256xf32, #tpu.memory_space<vmem>>, %arg2: memref<256x256xf32, #tpu.memory_space<vmem>>, %arg3: memref<256xf32, #tpu.memory_space<vmem>>, %arg4: memref<8x256xf32, #tpu.memory_space<vmem>>) attributes {dimension_semantics = [#tpu.dimension_semantics<arbitrary>], iteration_bounds = array<i64: 3>, scalar_prefetch = 0 : i64, scratch_operands = 0 : i64, tpu.core_type = #tpu.core_type<tc>, window_params = [{transform_indices = @transform_0, window_bounds = array<i64: 8192, 256>}, {pipeline_mode = #tpu.pipeline_mode<synchronous>, transform_indices = @transform_1, window_bounds = array<i64: 256, 256>}, {pipeline_mode = #tpu.pipeline_mode<synchronous>, transform_indices = @transform_2, window_bounds = array<i64: 256>}, {transform_indices = @transform_3, window_bounds = array<i64: 8, 256>}]} {
    %get3A = arith.constant 0 : index
    %get3A_0 = arith.constant 0 : index
    %get3A_1 = vector.load %arg1[%get3A, %get3A_0] : memref<8192x256xf32, #tpu.memory_space<vmem>>, vector<8192x256xf32>
    %broadcast_in_dim3A = arith.constant 1.000000e+00 : f32
    %broadcast_in_dim3A_2 = vector.broadcast %broadcast_in_dim3A : f32 to vector<8x8192xf32>
    %get3A_3 = arith.constant 0 : index
    %get3A_4 = arith.constant 0 : index
    %get3A_5 = vector.load %arg2[%get3A_3, %get3A_4] : memref<256x256xf32, #tpu.memory_space<vmem>>, vector<256x256xf32>
    %dot_general3A = arith.constant dense<0.000000e+00> : vector<8192x256xf32>
    %dot_general3A_6 = tpu.matmul %get3A_1, %get3A_5, %dot_general3A {dimension_numbers = #tpu.dot_dimension_numbers<[1], [0], [0], [1], [0, 0, 1, 1], [], []>, transpose_lhs_hint = false} : vector<8192x256xf32>, vector<256x256xf32>, vector<8192x256xf32> -> vector<8192x256xf32>
    %get3A_7 = arith.constant 0 : index
    %get3A_8 = vector.load %arg3[%get3A_7] : memref<256xf32, #tpu.memory_space<vmem>>, vector<256xf32>
    %broadcast_in_dim3A_9 = vector.shape_cast %get3A_8 : vector<256xf32> to vector<1x256xf32>
    %add3A = vector.broadcast %broadcast_in_dim3A_9 : vector<1x256xf32> to vector<8192x256xf32>
    %add3A_10 = arith.addf %dot_general3A_6, %add3A : vector<8192x256xf32>
    %max3A = arith.constant 0.000000e+00 : f32
    %max3A_11 = vector.broadcast %max3A : f32 to vector<8192x256xf32>
    %max3A_12 = arith.maximumf %add3A_10, %max3A_11 : vector<8192x256xf32>
    %dot_general3A_13 = arith.constant dense<0.000000e+00> : vector<8x256xf32>
    %dot_general3A_14 = tpu.matmul %broadcast_in_dim3A_2, %max3A_12, %dot_general3A_13 {dimension_numbers = #tpu.dot_dimension_numbers<[1], [0], [0], [1], [0, 0, 1, 1], [], []>, transpose_lhs_hint = false} : vector<8x8192xf32>, vector<8192x256xf32>, vector<8x256xf32> -> vector<8x256xf32>
    %swap3A = arith.constant 0 : index
    %swap3A_15 = arith.constant 0 : index
    %swap3A_16 = vector.load %arg4[%swap3A, %swap3A_15] : memref<8x256xf32, #tpu.memory_space<vmem>>, vector<8x256xf32>
    tpu.vector_store %arg4[%swap3A, %swap3A_15], %dot_general3A_14 {strides = array<i32>} : memref<8x256xf32, #tpu.memory_space<vmem>>, vector<8x256xf32>,
    return
  }
  func.func @transform_0(%arg0: i32) -> (i32, i32) {
    %add3A = arith.constant 1 : i32
    %add3A_0 = arith.addi %arg0, %add3A : i32
    %c0_i32 = arith.constant 0 : i32
    %c0_i32_1 = arith.constant 0 : i32
    return %add3A_0, %c0_i32 : i32, i32
  }
  func.func @transform_1(%arg0: i32) -> (i32, i32) {
    %c0_i32 = arith.constant 0 : i32
    %c0_i32_0 = arith.constant 0 : i32
    %c0_i32_1 = arith.constant 0 : i32
    return %c0_i32, %c0_i32_0 : i32, i32
  }
  func.func @transform_2(%arg0: i32) -> i32 {
    %c0_i32 = arith.constant 0 : i32
    %c0_i32_0 = arith.constant 0 : i32
    return %c0_i32 : i32
  }
  func.func @transform_3(%arg0: i32) -> (i32, i32) {
    %c0_i32 = arith.constant 0 : i32
    %c0_i32_0 = arith.constant 0 : i32
    return %arg0, %c0_i32 : i32, i32
  }
}

</mosaic_0001>

<sc_bundles>
// kernel: kernel.5.cloned.1.call-start
scs
__scs_entry_jumppad:
0x0: {  	(pc) =	sbr.rel $0x88, $3  }
0x1: {  	(tag) =	ssettag $0x0;
	lr =	simm.s32 $0x1  }
0x2: {  	[smem:$0x3F9C] =	sst lr;
	_ =	strace $0xD0000000  }
0x3: {  	_ = 	snop  }
0x4: {  	_ = 	snop  }
0x5: {  	_ = 	snop  }
0x6: {  	_ = 	snop  }
0x7: {  	_ = 	snop  }
__scs_overlays_trampoline_lowered:
0x8: {  	[smem:$0x3FAB] =	sst s0  }
0x9: {  	[smem:$0x3FAC] =	sst s1  }
0xa: {  	[smem:$0x3FAD] =	sst s2  }
0xb: {  	[smem:$0x3FAE] =	sst s3  }
0xc: {  	[smem:$0x3FAF] =	sst s4  }
0xd: {  	[smem:$0x3FB0] =	sst s5  }
0xe: {  	[smem:$0x3FB1] =	sst s6  }
0xf: {  	[smem:$0x3FB2] =	sst s7  }
0x10: {  	[smem:$0x3FB3] =	sst s8  }
0x11: {  	[smem:$0x3FB4] =	sst s9;
	s0 =	simm.s32 @!p0 $0x0  }
0x12: {  	s1 =	sld [smem:$0x3F9A];
	s0 =	simm.s32 @p0 $0x1  }
0x13: {  	[smem:$0x3FB5] =	sst s0;
	s0 =	simm.s32 @!p1 $0x0  }
0x14: {  	s2 =	sld [smem:$0x3F99];
	s0 =	simm.s32 @p1 $0x1  }
0x15: {  	[smem:$0x3FB6] =	sst s0;
	s0 =	simm.s32 @!p2 $0x0  }
0x16: {  	s3 =	sld [smem:$0x3FDB];
	s0 =	simm.s32 @p2 $0x1  }
0x17: {  	s4 =	simm.s32 $0x1BF5;
	[smem:$0x3FB8] =	sst s0  }
0x18: {  	s0 =	sld [smem:$0x3F9B];
	_ =	swait.ge [sflag:s4], $0x0  }
0x19: {  	s7 =	sld [smem:$0x3F9C]  }
0x1a: {  	s8 =	sadd.s32 $0xFFFFE003, lr  }
0x1b: {  	s9 =	sadd.s32 $0xFFFFFEF7, lr;
	s5 =	simm.s32 $0xFFFFFFFF;
	p2 =	slt.u32 s8, $0xFFFFF086  }
0x1c: {  	p1 =	slt.u32 s9, $0xF7A;
	s5 =	simm.s32 @!p2 $0x0  }
0x1d: {  	s5 =	simm.s32 @p1 $0x1;
	p0 =	seq.s32 s7, s2  }
0x1e: {  	s7 =	smul.u32 @!p0 $0xF7A, s2;
	p2 =	seq.s32 @!p0 s5, $0x0  }
0x1f: {  	s9 =	smul.u32 $0xF7A, s1;
	s8 =	simm.s32 @!p0 $0x1BF5;
	p2 =	por !p2, p0  }
0x20: {  	[sflag:s8] =	ssyncset.s32 @!p0 $0xFFFFF086;
	s6 =	sadd.s32 @!p0 s3, s7;
	s7 =	simm.s32 @!p0 $0x108  }
0x21: {  	s3 =	sadd.s32 s3, s9;
	s6 =	sadd.s32 @!p0 $0x88, s6;
	s7 =	simm.s32 @p2 $0x1082  }
0x22: {  	[simem:s7], [sflag:s8] =	dma.local @!p0 [hbm:s6], $0xF7A  }
0x23: {  	s9 =	sor.u32 $0xD0000000, s2;
	s6 =	simm.s32 $0x108;
	_ =	swait.ge @!p0 [sflag:s8], $0x0  }
0x24: {  	s3 =	sadd.s32 $0x88, s3;
	s6 =	simm.s32 @!p1 $0x1082;
	[sflag:s4] =	ssyncset.s32 $0xFFFFF086  }
0x25: {  	[simem:s6], [sflag:s4] =	dma.local [hbm:s3], $0xF7A  }
0x26: {  	[smem:$0x3F9C] =	sst s1;
	(tag) =	ssettag s2;
	_ =	strace s9  }
0x27: {  	s1 =	sld [smem:$0x3FAC]  }
0x28: {  	s2 =	sld [smem:$0x3FAD]  }
0x29: {  	s4 =	sld [smem:$0x3FAF]  }
0x2a: {  	p0 =	seq.s32 s5, $0x0;
	s5 =	sld [smem:$0x3FB0]  }
0x2b: {  	s6 =	sld [smem:$0x3FB1]  }
0x2c: {  	s7 =	sld [smem:$0x3FB2]  }
0x2d: {  	s3 =	simm.s32 $0x108;
	s8 =	sld [smem:$0x3FB3]  }
0x2e: {  	s3 =	simm.s32 @!p0 $0x1082;
	s9 =	sld [smem:$0x3FB4]  }
0x2f: {  	lr =	sadd.s32 s0, s3;
	s0 =	sld [smem:$0x3FAB]  }
0x30: {  	s3 =	sld [smem:$0x3FAE]  }
0x31: {  	[smem:$0x3FB7] =	sst s10  }
0x32: {  	s10 =	sld [smem:$0x3FB5];
	_ =	sdelay $0x3  }
0x33: {  	p0 =	seq.s32 s10, $0x1;
	s10 =	sld [smem:$0x3FB7];
	_ =	sdelay $0x3  }
0x34: {  	[smem:$0x3FB7] =	sst s10  }
0x35: {  	s10 =	sld [smem:$0x3FB6];
	_ =	sdelay $0x3  }
0x36: {  	p1 =	seq.s32 s10, $0x1;
	s10 =	sld [smem:$0x3FB7];
	_ =	sdelay $0x3  }
0x37: {  	[smem:$0x3FB7] =	sst s10  }
0x38: {  	s10 =	sld [smem:$0x3FB8]  }
0x39: {  	_ = 	snop;
	(pc) =	sbr.ind lr, $3  }
0x3a: {  	_ = 	snop  }
0x3b: {  	_ = 	snop  }
0x3c: {  	p2 =	seq.s32 s10, $0x1;
	s10 =	sld [smem:$0x3FB7]  }
0x3d: {  	_ =	shalt  }
0x3e: {  	_ =	shalt  }
0x3f: {  	_ =	shalt  }
0x40: {  	_ =	shalt  }
0x41: {  	_ =	shalt  }
0x42: {  	_ =	shalt  }
0x43: {  	_ =	shalt  }
0x44: {  	_ =	shalt  }
0x45: {  	_ =	shalt  }
0x46: {  	_ =	shalt  }
0x47: {  	_ =	shalt  }
0x48: {  	_ =	shalt  }
0x49: {  	_ =	shalt  }
0x4a: {  	_ =	shalt  }
0x4b: {  	_ =	shalt  }
0x4c: {  	_ =	shalt  }
0x4d: {  	_ =	shalt  }
0x4e: {  	_ =	shalt  }
0x4f: {  	_ =	shalt  }
0x50: {  	_ =	shalt  }
0x51: {  	_ =	shalt  }
0x52: {  	_ =	shalt  }
0x53: {  	_ =	shalt  }
0x54: {  	_ =	shalt  }
0x55: {  	_ =	shalt  }
0x56: {  	_ =	shalt  }
0x57: {  	_ =	shalt  }
0x58: {  	_ =	shalt  }
0x59: {  	_ =	shalt  }
0x5a: {  	_ =	shalt  }
0x5b: {  	_ =	shalt  }
0x5c: {  	_ =	shalt  }
0x5d: {  	_ =	shalt  }
0x5e: {  	_ =	shalt  }
0x5f: {  	_ =	shalt  }
0x60: {  	_ =	shalt  }
0x61: {  	_ =	shalt  }
0x62: {  	_ =	shalt  }
0x63: {  	_ =	shalt  }
0x64: {  	_ =	shalt  }
0x65: {  	_ =	shalt  }
0x66: {  	_ =	shalt  }
0x67: {  	_ =	shalt  }
0x68: {  	_ =	shalt  }
0x69: {  	_ =	shalt  }
0x6a: {  	_ =	shalt  }
0x6b: {  	_ =	shalt  }
0x6c: {  	_ =	shalt  }
0x6d: {  	_ =	shalt  }
0x6e: {  	_ =	shalt  }
0x6f: {  	_ =	shalt  }
0x70: {  	_ =	shalt  }
0x71: {  	_ =	shalt  }
0x72: {  	_ =	shalt  }
0x73: {  	_ =	shalt  }
0x74: {  	_ =	shalt  }
0x75: {  	_ =	shalt  }
0x76: {  	_ =	shalt  }
0x77: {  	_ =	shalt  }
0x78: {  	_ =	shalt  }
0x79: {  	_ =	shalt  }
0x7a: {  	_ =	shalt  }
0x7b: {  	_ =	shalt  }
0x7c: {  	_ =	shalt  }
0x7d: {  	_ =	shalt  }
0x7e: {  	_ =	shalt  }
0x7f: {  	_ =	shalt  }
0x80: {  	_ =	shalt  }
0x81: {  	_ =	shalt  }
0x82: {  	_ =	shalt  }
0x83: {  	_ =	shalt  }
0x84: {  	_ =	shalt  }
0x85: {  	_ =	shalt  }
0x86: {  	_ =	shalt  }
0x87: {  	_ =	shalt  }
.Lfunc_end0:
.L_simem_size_0:
called_computation_lowered:
.L_overlay_start_0:
0x88: {  	s2 =	sld [smem:$0x3FD9]  }
0x89: {  	s3 =	sld [smem:$0x3FFE];
	_ =	sdelay $0x1  }
0x8a: {  	s1 =	srdreg.scid  }
0x8b: {  	s0 =	sand.u32 $0x1, s1  }
0x8c: {  	s17 =	sshll.u32 s0, $0xA;
	s2 =	sadd.s32 s3, s2  }
0x8d: {  	s2 =	sadd.s32 s2, s17  }
0x8e: {  	[smem:$0x3FC3] =	sst s2  }
0x8f: {  	_ = 	snop  }
0x90: {  	s2 =	sld [smem:$0x3FC9];
	(tm) =	ssettm $0x1  }
0x91: {  	s18 =	sld [smem:$0x3FFB];
	_ =	sdelay $0x3  }
0x92: {  	_ =	strace s18  }
0x93: {  	s3 =	sld [smem:$0x3FFC];
	_ =	sdelay $0x3  }
0x94: {  	_ =	strace s3  }
0x95: {  	s3 =	sld [smem:$0x3FFD];
	_ =	sdelay $0x3  }
0x96: {  	_ =	strace s3  }
0x97: {  	_ =	strace $0x8FFFFFFF  }
0x98: {  	s19 =	sld [smem:$0x3FDB];
	_ =	sdelay $0x1  }
0x99: {  	s4 =	simm.s32 $_scs_section_size  }
0x9a: {  	s5 =	simm.s32 $_size__tile_overlayer_lowered;
	s6 =	simm.s32 $_tile_overlayer_lowered  }
0x9b: {  	s22 =	simm.s32 $0x1BFF;
	s21 =	sshll.u32 s6, $0x1;
	s3 =	sadd.s32 s4, s19  }
0x9c: {  	s7 =	simm.s32 $0x0;
	s20 =	sshll.u32 s5, $0x1;
	s5 =	sadd.s32 s21, s3  }
0x9d: {  	[timem:s7], [sflag:s22] =	dma.local [hbm:s5], s20  }
0x9e: {  	_ =	swait.ge [sflag:s22], s20  }
0x9f: {  	s4 =	ssub.s32 $0x0, s20;
	[sflag:s22] =	ssyncset.done $0x0  }
0xa0: {  	[sflag:s22] =	ssyncadd.s32 s4;
	_ =	sdelay $0x1  }
0xa1: {  	s23 =	simm.s32 $0x1B8B  }
0xa2: {  	_ =	swait.ge [sflag:s23], $0x1  }
0xa3: {  	[sflag:s23] =	ssyncset.done $0x0  }
0xa4: {  	s25 =	simm.s32 $0x1B8E;
	s24 =	sld [smem:$0x3FFE];
	[sflag:s23] =	ssyncadd.s32 $0xFFFFFFFF  }
0xa5: {  	s26 =	simm.s32 $execute0_lowered;
	[smem:$0x3FD2] =	sst s25  }
0xa6: {  	s5 =	sshll.u32 s26, $0x1;
	_ =	strace $0x80000046;
	[dreg:$0x1] =	wrdreg $0xFFFFFFFF  }
0xa7: {  	s28 =	simm.s32 $_size_execute0_lowered;
	s3 =	sadd.s32 s3, s5;
	[dreg:$0x0] =	wrdreg $0x0  }
0xa8: {  	s5 =	sshll.u32 s28, $0x1;
	[dreg:$0x2] =	wrdreg s3  }
0xa9: {  	[dreg:$0x3] =	wrdreg s5  }
0xaa: {  	[dreg:$0x4] =	wrdreg $0xC0  }
0xab: {  	_ =	task [dreg:s7], $0x5FFFF  }
0xac: {  	[dreg:$0x1] =	wrdreg $0xFFFFFFFF  }
0xad: {  	[dreg:$0x0] =	wrdreg $0x60  }
0xae: {  	[dreg:$0x2] =	wrdreg s2  }
0xaf: {  	[dreg:$0x3] =	wrdreg s24  }
0xb0: {  	[dreg:$0x4] =	wrdreg $0x9  }
0xb1: {  	_ =	task.clear_ibuf [dreg:s7], $0x5FFFF;
	_ =	strace $0x90000046  }
0xb2: {  	s29 =	simm.s32 $0x9;
	_ =	strace $0x80000048  }
0xb3: {  	_ =	swait.ge [sflag:s29], $0x1  }
0xb4: {  	[sflag:s29] =	ssyncadd.s32 $0xFFFFFFFF  }
0xb5: {  	_ =	strace $0x90000048  }
0xb6: {  	_ =	sfence  }
0xb7: {  	s30 =	sld [smem:$0x0];
	_ =	sdelay $0x2  }
0xb8: {  	s31 =	sshll.u32 s1, $0xD;
	s1 =	sshrl.u32 s1, $0x2  }
0xb9: {  	s3 =	sand.u32 $0x4000, s31;
	s1 =	sadd.s32 s1, s30  }
0xba: {  	s0 =	sor.u32 s3, s0;
	s1 =	sshll.u32 s1, $0x11  }
0xbb: {  	s0 =	sor.u32 s1, s0  }
0xbc: {  	s0 =	sadd.s32 $0x8F2B, s0  }
0xbd: {  	[sflag:s0] =	ssyncadd.remote.s32 $0x1  }
0xbe: {  	_ =	sfence.sel $0xFFFF  }
0xbf: {  	[dreg:$0x0] =	wrdreg $0xFFFFFFFF;
	(pc) =	sbr.abs _section_cstart, $3  }
0xc0: {  	[dreg:$0x1] =	wrdreg $0xFFFFFFFF  }
0xc1: {  	_ =	task.clear_ibuf [dreg:s7], $0x2FFFF;
	_ =	strace $0x9FFFFFFF  }
0xc2: {  	(tm) =	ssettm $0x7FFFFFFF  }
0xc3: {  	_ =	shalt  }
tec
execute0_lowered:
.L_overlay_start_1:
0x0: {  	(tag) =	ssettag $0x1  }
0x1: {  	s1 =	srdreg.scid;
	s2 =	rddreg [dreg:$0x0]  }
0x2: {  	s0 =	stileid.u32;
	s5 =	rddreg [dreg:$0x1];
	s17 =	simm.s32 $0x80  }
0x3: {  	s18 =	simm.s32 $0x900;
	s19 =	simm.s32 $0x1100;
	s20 =	simm.s32 $0x1900  }
0x4: {  	s21 =	simm.s32 $0x2100;
	s23 =	simm.s32 $0x2900;
	s24 =	simm.s32 $0x3100  }
0x5: {  	s25 =	simm.s32 $0x3900;
	s26 =	simm.s32 $0x4100;
	s1 =	sand.u32 $0x1, s1  }
0x6: {  	s8 =	simm.s32 $0x5100;
	s3 =	sshll.u32 s0, $0x8;
	s4 =	sshll.u32 s1, $0x7  }
0x7: {  	s9 =	simm.s32 $0x5900;
	s4 =	sor.u32 s4, s3;
	s3 =	simm.s32 $0x0  }
0x8: {  	s10 =	simm.s32 $0x6100;
	s11 =	simm.s32 $0x6900;
	[smem:$0x7FF] =	sst s3  }
0x9: {  	s12 =	simm.s32 $0x7100;
	_ =	strace $0x80000047;
	[dreg:$0x7] =	wrdreg s17  }
0xa: {  	s13 =	simm.s32 $0x7900;
	s14 =	simm.s32 $0x8100;
	[dreg:$0x8] =	wrdreg s18  }
0xb: {  	s28 =	simm.s32 $0xE900;
	s29 =	simm.s32 $0xF100;
	[dreg:$0x9] =	wrdreg s19  }
0xc: {  	s30 =	simm.s32 $0xF900;
	s1 =	ssub.s32 $0x2, s1;
	[dreg:$0xa] =	wrdreg s20  }
0xd: {  	s31 =	simm.s32 $0x1;
	s22 =	sshrl.u32 s1, $0x1;
	[dreg:$0xb] =	wrdreg s21  }
0xe: {  	s6 =	sshrl.u32 s4, $0x3;
	s4 =	sshll.u32 s4, $0x5;
	[dreg:$0xc] =	wrdreg s23  }
0xf: {  	s1 =	ssub.s32 s1, s22;
	s22 =	simm.s32 $0xC100;
	[dreg:$0xd] =	wrdreg s24  }
0x10: {  	s6 =	sadd.s32 s6, s5;
	s4 =	sadd.s32 s4, s5;
	[dreg:$0xe] =	wrdreg s25  }
0x11: {  	s5 =	simm.s32 $0x3;
	[dreg:$0xf] =	wrdreg s26;
	s17 =	simm.s32 $0x9900  }
0x12: {  	s18 =	simm.s32 $0xA100;
	s19 =	simm.s32 $0xA900;
	s20 =	simm.s32 $0xB100  }
0x13: {  	s21 =	simm.s32 $0xB900;
	s23 =	simm.s32 $0xC900;
	s7 =	sadd.s32 $0x1200, s6  }
0x14: {  	s24 =	simm.s32 $0xD100;
	s15 =	sadd.s32 $0x1400, s6;
	[dreg:$0x3] =	wrdreg s7  }
0x15: {  	s25 =	simm.s32 $0xD900;
	s16 =	sadd.s32 $0x1600, s4;
	[dreg:$0x4] =	wrdreg s15  }
0x16: {  	v2 =	vlaneseq.u32;
	s26 =	simm.s32 $0xE100;
	s4 =	sadd.s32 $0x21600, s4;
	[dreg:$0x5] =	wrdreg s16  }
0x17: {  	vm0 =	vmmov $0xffff;
	v1 =	vshrl.u32 v2, $0x3;
	s6 =	simm.s32 $0x100;
	[dreg:$0x6] =	wrdreg s4;
	s4 =	smax.u32 s1, $0x1  }
0x18: {  	v0 =	vand.u32 $0x7, v2;
	v2 =	vor.u32 $0x8, v2;
	v1 =	vmul.u32 $0x8, v1;
	s15 =	simm.s32 $0x8900;
	s16 =	simm.s32 $0x9100;
	s1 =	simm.s32 $0x2  }
.LBB2_1:
0x19: {  	s0 =	rddreg [dreg:$0x3]  }
0x1a: {  	[tilespmem:s3], [sflag:$0x3] =	stream.linear.gather [hbm4b:s0+s3], $0x80, $0x38;
	[tilespmem:$0x10100] =	vst v63  }
0x1b: {  	_ =	swait.ge [sflag:s5], $0x80  }
0x1c: {  	s0 =	rddreg [dreg:$0x4];
	[sflag:s5] =	ssyncset.done $0x0  }
0x1d: {  	s7 =	rddreg [dreg:$0x7];
	[sflag:s5] =	ssyncadd.s32 $0xFFFFFF80  }
0x1e: {  	[tilespmem:s7], [sflag:$0x3] =	stream.linear.gather [hbm4b:s0+s3], $0x80, $0x38;
	[tilespmem:$0x10100] =	vst v63  }
0x1f: {  	_ =	swait.ge [sflag:s5], $0x80  }
0x20: {  	[sflag:s5] =	ssyncset.done $0x0  }
0x21: {  	[sflag:s5] =	ssyncadd.s32 $0xFFFFFF80  }
0x22: {  	v3 =	vld [tilespmem:$0x0];
	_ =	sdelay $0x4  }
0x23: {  	v4 =	vshll.u32 v3, $0x1  }
0x24: {  	v3 =	vand.u32 $0x7, v3;
	v4 =	vand.u32 $0xFFFFFFF0, v4  }
0x25: {  	v3 =	vor.u32 v3, v4  }
0x26: {  	v4 =	vperm.xlane v3, v0;
	_ =	sdelay $0x1  }
0x27: {  	v3 =	vperm.xlane v3, v2;
	v4 =	vadd.s32 v1, v4;
	_ =	sdelay $0x1  }
0x28: {  	v3 =	vadd.s32 v1, v3;
	_ =	sdelay $0x2  }
0x29: {  	[tilespmem:s6], [sflag:$0x1] =	stream.indirect_vreg.gather [hbm4b:s2+s3], $0x80, v4, vm0, $0xb8;
	[tilespmem:$0x10100] =	vst v63  }
0x2a: {  	s7 =	rddreg [dreg:$0x8]  }
0x2b: {  	[tilespmem:s7], [sflag:$0x1] =	stream.indirect_vreg.gather [hbm4b:s2+s3], $0x80, v3, vm0, $0xb8;
	[tilespmem:$0x10100] =	vst v63  }
0x2c: {  	v3 =	vld [tilespmem:$0x10];
	_ =	sdelay $0x4  }
0x2d: {  	v49 =	vshll.u32 v3, $0x1  }
0x2e: {  	v3 =	vand.u32 $0x7, v3;
	v4 =	vand.u32 $0xFFFFFFF0, v49  }
0x2f: {  	v3 =	vor.u32 v3, v4  }
0x30: {  	v4 =	vperm.xlane v3, v0;
	_ =	sdelay $0x1  }
0x31: {  	v3 =	vperm.xlane v3, v2;
	v4 =	vadd.s32 v1, v4;
	_ =	sdelay $0x1  }
0x32: {  	v3 =	vadd.s32 v1, v3;
	_ =	sdelay $0x1  }
0x33: {  	s0 =	rddreg [dreg:$0x9]  }
0x34: {  	[tilespmem:s0], [sflag:$0x1] =	stream.indirect_vreg.gather [hbm4b:s2+s3], $0x80, v4, vm0, $0xb8;
	[tilespmem:$0x10100] =	vst v63  }
0x35: {  	s7 =	rddreg [dreg:$0xa]  }
0x36: {  	[tilespmem:s7], [sflag:$0x1] =	stream.indirect_vreg.gather [hbm4b:s2+s3], $0x80, v3, vm0, $0xb8;
	[tilespmem:$0x10100] =	vst v63  }
0x37: {  	v3 =	vld [tilespmem:$0x20];
	_ =	sdelay $0x4  }
0x38: {  	v50 =	vshll.u32 v3, $0x1  }
0x39: {  	v3 =	vand.u32 $0x7, v3;
	v4 =	vand.u32 $0xFFFFFFF0, v50  }
0x3a: {  	v3 =	vor.u32 v3, v4  }
0x3b: {  	v4 =	vperm.xlane v3, v0;
	_ =	sdelay $0x1  }
0x3c: {  	v3 =	vperm.xlane v3, v2;
	v4 =	vadd.s32 v1, v4;
	_ =	sdelay $0x1  }
0x3d: {  	v3 =	vadd.s32 v1, v3;
	_ =	sdelay $0x1  }
0x3e: {  	s0 =	rddreg [dreg:$0xb]  }
0x3f: {  	[tilespmem:s0], [sflag:$0x1] =	stream.indirect_vreg.gather [hbm4b:s2+s3], $0x80, v4, vm0, $0xb8;
	[tilespmem:$0x10100] =	vst v63  }
0x40: {  	s7 =	rddreg [dreg:$0xc]  }
0x41: {  	[tilespmem:s7], [sflag:$0x1] =	stream.indirect_vreg.gather [hbm4b:s2+s3], $0x80, v3, vm0, $0xb8;
	[tilespmem:$0x10100] =	vst v63  }
0x42: {  	v3 =	vld [tilespmem:$0x30];
	_ =	sdelay $0x4  }
0x43: {  	v51 =	vshll.u32 v3, $0x1  }
0x44: {  	v3 =	vand.u32 $0x7, v3;
	v4 =	vand.u32 $0xFFFFFFF0, v51  }
0x45: {  	v3 =	vor.u32 v3, v4  }
0x46: {  	v4 =	vperm.xlane v3, v0;
	_ =	sdelay $0x1  }
0x47: {  	v3 =	vperm.xlane v3, v2;
	v4 =	vadd.s32 v1, v4;
	_ =	sdelay $0x1  }
0x48: {  	v3 =	vadd.s32 v1, v3;
	_ =	sdelay $0x1  }
0x49: {  	s0 =	rddreg [dreg:$0xd]  }
0x4a: {  	[tilespmem:s0], [sflag:$0x1] =	stream.indirect_vreg.gather [hbm4b:s2+s3], $0x80, v4, vm0, $0xb8;
	[tilespmem:$0x10100] =	vst v63  }
0x4b: {  	s7 =	rddreg [dreg:$0xe]  }
0x4c: {  	[tilespmem:s7], [sflag:$0x1] =	stream.indirect_vreg.gather [hbm4b:s2+s3], $0x80, v3, vm0, $0xb8;
	[tilespmem:$0x10100] =	vst v63  }
0x4d: {  	v3 =	vld [tilespmem:$0x40];
	_ =	sdelay $0x4  }
0x4e: {  	v52 =	vshll.u32 v3, $0x1  }
0x4f: {  	v3 =	vand.u32 $0x7, v3;
	v4 =	vand.u32 $0xFFFFFFF0, v52  }
0x50: {  	v3 =	vor.u32 v3, v4  }
0x51: {  	v4 =	vperm.xlane v3, v0;
	_ =	sdelay $0x1  }
0x52: {  	v3 =	vperm.xlane v3, v2;
	v4 =	vadd.s32 v1, v4;
	_ =	sdelay $0x1  }
0x53: {  	v3 =	vadd.s32 v1, v3;
	_ =	sdelay $0x1  }
0x54: {  	s7 =	rddreg [dreg:$0xf]  }
0x55: {  	[tilespmem:s7], [sflag:$0x1] =	stream.indirect_vreg.gather [hbm4b:s2+s3], $0x80, v4, vm0, $0xb8;
	[tilespmem:$0x10100] =	vst v63  }
0x56: {  	s7 =	simm.s32 $0x4900  }
0x57: {  	[tilespmem:s7], [sflag:$0x1] =	stream.indirect_vreg.gather [hbm4b:s2+s3], $0x80, v3, vm0, $0xb8;
	[tilespmem:$0x10100] =	vst v63  }
0x58: {  	v3 =	vld [tilespmem:$0x50];
	_ =	sdelay $0x4  }
0x59: {  	v53 =	vshll.u32 v3, $0x1  }
0x5a: {  	v3 =	vand.u32 $0x7, v3;
	v4 =	vand.u32 $0xFFFFFFF0, v53  }
0x5b: {  	v3 =	vor.u32 v3, v4  }
0x5c: {  	v4 =	vperm.xlane v3, v0;
	_ =	sdelay $0x1  }
0x5d: {  	v3 =	vperm.xlane v3, v2;
	v4 =	vadd.s32 v1, v4;
	_ =	sdelay $0x1  }
0x5e: {  	v3 =	vadd.s32 v1, v3;
	_ =	sdelay $0x2  }
0x5f: {  	[tilespmem:s8], [sflag:$0x1] =	stream.indirect_vreg.gather [hbm4b:s2+s3], $0x80, v4, vm0, $0xb8;
	[tilespmem:$0x10100] =	vst v63  }
0x60: {  	_ = 	snop  }
0x61: {  	[tilespmem:s9], [sflag:$0x1] =	stream.indirect_vreg.gather [hbm4b:s2+s3], $0x80, v3, vm0, $0xb8;
	[tilespmem:$0x10100] =	vst v63  }
0x62: {  	v3 =	vld [tilespmem:$0x60];
	_ =	sdelay $0x4  }
0x63: {  	v54 =	vshll.u32 v3, $0x1  }
0x64: {  	v3 =	vand.u32 $0x7, v3;
	v4 =	vand.u32 $0xFFFFFFF0, v54  }
0x65: {  	v3 =	vor.u32 v3, v4  }
0x66: {  	v4 =	vperm.xlane v3, v0;
	_ =	sdelay $0x1  }
0x67: {  	v3 =	vperm.xlane v3, v2;
	v4 =	vadd.s32 v1, v4;
	_ =	sdelay $0x1  }
0x68: {  	v3 =	vadd.s32 v1, v3;
	_ =	sdelay $0x2  }
0x69: {  	[tilespmem:s10], [sflag:$0x1] =	stream.indirect_vreg.gather [hbm4b:s2+s3], $0x80, v4, vm0, $0xb8;
	[tilespmem:$0x10100] =	vst v63  }
0x6a: {  	_ = 	snop  }
0x6b: {  	[tilespmem:s11], [sflag:$0x1] =	stream.indirect_vreg.gather [hbm4b:s2+s3], $0x80, v3, vm0, $0xb8;
	[tilespmem:$0x10100] =	vst v63  }
0x6c: {  	v3 =	vld [tilespmem:$0x70];
	_ =	sdelay $0x4  }
0x6d: {  	v55 =	vshll.u32 v3, $0x1  }
0x6e: {  	v3 =	vand.u32 $0x7, v3;
	v4 =	vand.u32 $0xFFFFFFF0, v55  }
0x6f: {  	v3 =	vor.u32 v3, v4  }
0x70: {  	v4 =	vperm.xlane v3, v0;
	_ =	sdelay $0x1  }
0x71: {  	v3 =	vperm.xlane v3, v2;
	v4 =	vadd.s32 v1, v4;
	_ =	sdelay $0x1  }
0x72: {  	v3 =	vadd.s32 v1, v3;
	_ =	sdelay $0x2  }
0x73: {  	[tilespmem:s12], [sflag:$0x1] =	stream.indirect_vreg.gather [hbm4b:s2+s3], $0x80, v4, vm0, $0xb8;
	[tilespmem:$0x10100] =	vst v63  }
0x74: {  	_ = 	snop  }
0x75: {  	[tilespmem:s13], [sflag:$0x1] =	stream.indirect_vreg.gather [hbm4b:s2+s3], $0x80, v3, vm0, $0xb8;
	[tilespmem:$0x10100] =	vst v63  }
0x76: {  	v3 =	vld [tilespmem:$0x80];
	_ =	sdelay $0x4  }
0x77: {  	v56 =	vshll.u32 v3, $0x1  }
0x78: {  	v3 =	vand.u32 $0x7, v3;
	v4 =	vand.u32 $0xFFFFFFF0, v56  }
0x79: {  	v3 =	vor.u32 v3, v4  }
0x7a: {  	v4 =	vperm.xlane v3, v0;
	_ =	sdelay $0x1  }
0x7b: {  	v3 =	vperm.xlane v3, v2;
	v4 =	vadd.s32 v1, v4;
	_ =	sdelay $0x1  }
0x7c: {  	v3 =	vadd.s32 v1, v3;
	_ =	sdelay $0x2  }
0x7d: {  	[tilespmem:s14], [sflag:$0x2] =	stream.indirect_vreg.gather [hbm4b:s2+s3], $0x80, v4, vm0, $0xb8;
	[tilespmem:$0x10100] =	vst v63  }
0x7e: {  	_ = 	snop  }
0x7f: {  	[tilespmem:s15], [sflag:$0x2] =	stream.indirect_vreg.gather [hbm4b:s2+s3], $0x80, v3, vm0, $0xb8;
	[tilespmem:$0x10100] =	vst v63  }
0x80: {  	v3 =	vld [tilespmem:$0x90];
	_ =	sdelay $0x4  }
0x81: {  	v57 =	vshll.u32 v3, $0x1  }
0x82: {  	v3 =	vand.u32 $0x7, v3;
	v4 =	vand.u32 $0xFFFFFFF0, v57  }
0x83: {  	v3 =	vor.u32 v3, v4  }
0x84: {  	v4 =	vperm.xlane v3, v0;
	_ =	sdelay $0x1  }
0x85: {  	v3 =	vperm.xlane v3, v2;
	v4 =	vadd.s32 v1, v4;
	_ =	sdelay $0x1  }
0x86: {  	v3 =	vadd.s32 v1, v3;
	_ =	sdelay $0x2  }
0x87: {  	[tilespmem:s16], [sflag:$0x2] =	stream.indirect_vreg.gather [hbm4b:s2+s3], $0x80, v4, vm0, $0xb8;
	[tilespmem:$0x10100] =	vst v63  }
0x88: {  	_ = 	snop  }
0x89: {  	[tilespmem:s17], [sflag:$0x2] =	stream.indirect_vreg.gather [hbm4b:s2+s3], $0x80, v3, vm0, $0xb8;
	[tilespmem:$0x10100] =	vst v63  }
0x8a: {  	v3 =	vld [tilespmem:$0xA0];
	_ =	sdelay $0x4  }
0x8b: {  	v58 =	vshll.u32 v3, $0x1  }
0x8c: {  	v3 =	vand.u32 $0x7, v3;
	v4 =	vand.u32 $0xFFFFFFF0, v58  }
0x8d: {  	v3 =	vor.u32 v3, v4  }
0x8e: {  	v4 =	vperm.xlane v3, v0;
	_ =	sdelay $0x1  }
0x8f: {  	v3 =	vperm.xlane v3, v2;
	v4 =	vadd.s32 v1, v4;
	_ =	sdelay $0x1  }
0x90: {  	v3 =	vadd.s32 v1, v3;
	_ =	sdelay $0x2  }
0x91: {  	[tilespmem:s18], [sflag:$0x2] =	stream.indirect_vreg.gather [hbm4b:s2+s3], $0x80, v4, vm0, $0xb8;
	[tilespmem:$0x10100] =	vst v63  }
0x92: {  	_ = 	snop  }
0x93: {  	[tilespmem:s19], [sflag:$0x2] =	stream.indirect_vreg.gather [hbm4b:s2+s3], $0x80, v3, vm0, $0xb8;
	[tilespmem:$0x10100] =	vst v63  }
0x94: {  	v3 =	vld [tilespmem:$0xB0];
	_ =	sdelay $0x4  }
0x95: {  	v59 =	vshll.u32 v3, $0x1  }
0x96: {  	v3 =	vand.u32 $0x7, v3;
	v4 =	vand.u32 $0xFFFFFFF0, v59  }
0x97: {  	v3 =	vor.u32 v3, v4  }
0x98: {  	v4 =	vperm.xlane v3, v0;
	_ =	sdelay $0x1  }
0x99: {  	v3 =	vperm.xlane v3, v2;
	v4 =	vadd.s32 v1, v4;
	_ =	sdelay $0x1  }
0x9a: {  	v3 =	vadd.s32 v1, v3;
	_ =	sdelay $0x2  }
0x9b: {  	[tilespmem:s20], [sflag:$0x2] =	stream.indirect_vreg.gather [hbm4b:s2+s3], $0x80, v4, vm0, $0xb8;
	[tilespmem:$0x10100] =	vst v63  }
0x9c: {  	_ = 	snop  }
0x9d: {  	[tilespmem:s21], [sflag:$0x2] =	stream.indirect_vreg.gather [hbm4b:s2+s3], $0x80, v3, vm0, $0xb8;
	[tilespmem:$0x10100] =	vst v63  }
0x9e: {  	v3 =	vld [tilespmem:$0xC0];
	_ =	sdelay $0x4  }
0x9f: {  	v60 =	vshll.u32 v3, $0x1  }
0xa0: {  	v3 =	vand.u32 $0x7, v3;
	v4 =	vand.u32 $0xFFFFFFF0, v60  }
0xa1: {  	v3 =	vor.u32 v3, v4  }
0xa2: {  	v4 =	vperm.xlane v3, v0;
	_ =	sdelay $0x1  }
0xa3: {  	v3 =	vperm.xlane v3, v2;
	v4 =	vadd.s32 v1, v4;
	_ =	sdelay $0x1  }
0xa4: {  	v3 =	vadd.s32 v1, v3;
	_ =	sdelay $0x2  }
0xa5: {  	[tilespmem:s22], [sflag:$0x2] =	stream.indirect_vreg.gather [hbm4b:s2+s3], $0x80, v4, vm0, $0xb8;
	[tilespmem:$0x10100] =	vst v63  }
0xa6: {  	_ = 	snop  }
0xa7: {  	[tilespmem:s23], [sflag:$0x2] =	stream.indirect_vreg.gather [hbm4b:s2+s3], $0x80, v3, vm0, $0xb8;
	[tilespmem:$0x10100] =	vst v63  }
0xa8: {  	v3 =	vld [tilespmem:$0xD0];
	_ =	sdelay $0x4  }
0xa9: {  	v61 =	vshll.u32 v3, $0x1  }
0xaa: {  	v3 =	vand.u32 $0x7, v3;
	v4 =	vand.u32 $0xFFFFFFF0, v61  }
0xab: {  	v3 =	vor.u32 v3, v4  }
0xac: {  	v4 =	vperm.xlane v3, v0;
	_ =	sdelay $0x1  }
0xad: {  	v3 =	vperm.xlane v3, v2;
	v4 =	vadd.s32 v1, v4;
	_ =	sdelay $0x1  }
0xae: {  	v3 =	vadd.s32 v1, v3;
	_ =	sdelay $0x2  }
0xaf: {  	[tilespmem:s24], [sflag:$0x2] =	stream.indirect_vreg.gather [hbm4b:s2+s3], $0x80, v4, vm0, $0xb8;
	[tilespmem:$0x10100] =	vst v63  }
0xb0: {  	_ = 	snop  }
0xb1: {  	[tilespmem:s25], [sflag:$0x2] =	stream.indirect_vreg.gather [hbm4b:s2+s3], $0x80, v3, vm0, $0xb8;
	[tilespmem:$0x10100] =	vst v63  }
0xb2: {  	v3 =	vld [tilespmem:$0xE0];
	_ =	sdelay $0x4  }
0xb3: {  	v62 =	vshll.u32 v3, $0x1  }
0xb4: {  	v3 =	vand.u32 $0x7, v3;
	v4 =	vand.u32 $0xFFFFFFF0, v62  }
0xb5: {  	v3 =	vor.u32 v3, v4  }
0xb6: {  	v4 =	vperm.xlane v3, v0;
	_ =	sdelay $0x1  }
0xb7: {  	v3 =	vperm.xlane v3, v2;
	v4 =	vadd.s32 v1, v4;
	_ =	sdelay $0x1  }
0xb8: {  	v3 =	vadd.s32 v1, v3;
	_ =	sdelay $0x2  }
0xb9: {  	[tilespmem:s26], [sflag:$0x2] =	stream.indirect_vreg.gather [hbm4b:s2+s3], $0x80, v4, vm0, $0xb8;
	[tilespmem:$0x10100] =	vst v63  }
0xba: {  	_ = 	snop  }
0xbb: {  	[tilespmem:s28], [sflag:$0x2] =	stream.indirect_vreg.gather [hbm4b:s2+s3], $0x80, v3, vm0, $0xb8;
	[tilespmem:$0x10100] =	vst v63  }
0xbc: {  	v3 =	vld [tilespmem:$0xF0];
	_ =	sdelay $0x4  }
0xbd: {  	v63 =	vshll.u32 v3, $0x1  }
0xbe: {  	v3 =	vand.u32 $0x7, v3;
	v4 =	vand.u32 $0xFFFFFFF0, v63  }
0xbf: {  	v3 =	vor.u32 v3, v4  }
0xc0: {  	v4 =	vperm.xlane v3, v0;
	_ =	sdelay $0x1  }
0xc1: {  	v3 =	vperm.xlane v3, v2;
	v4 =	vadd.s32 v1, v4;
	_ =	sdelay $0x1  }
0xc2: {  	v3 =	vadd.s32 v1, v3;
	_ =	sdelay $0x2  }
0xc3: {  	[tilespmem:s29], [sflag:$0x2] =	stream.indirect_vreg.gather [hbm4b:s2+s3], $0x80, v4, vm0, $0xb8;
	[tilespmem:$0x10100] =	vst v63  }
0xc4: {  	_ = 	snop  }
0xc5: {  	[tilespmem:s30], [sflag:$0x2] =	stream.indirect_vreg.gather [hbm4b:s2+s3], $0x80, v3, vm0, $0xb8;
	[tilespmem:$0x10100] =	vst v63  }
0xc6: {  	_ =	swait.ge [sflag:s31], $0x8000  }
0xc7: {  	[sflag:s31] =	ssyncset.done $0x0  }
0xc8: {  	[sflag:s31] =	ssyncadd.s32 $0xFFFF8000  }
0xc9: {  	_ =	swait.ge [sflag:s1], $0x8000  }
0xca: {  	[sflag:s1] =	ssyncset.done $0x0  }
0xcb: {  	s7 =	rddreg [dreg:$0x5];
	[sflag:s1] =	ssyncadd.s32 $0xFFFF8000  }
0xcc: {  	[hbm4b:s7+s3] =	stream.linear.scatter [tilespmem:s6], [sflag:$0x3], $0x8000, $0x38;
	[tilespmem:$0x10100] =	vst v63  }
0xcd: {  	_ =	swait.ge [sflag:s5], $0x8000  }
0xce: {  	p0 =	sne.s32 s4, $0x1;
	[sflag:s5] =	ssyncset.done $0x0  }
.Ltmp0:
0xcf: {  	s7 =	rddreg [dreg:$0x6];
	[sflag:s5] =	ssyncadd.s32 $0xFFFF8000;
	(pc) =	sbr.rel @p0 .LBB2_1-.Ltmp0, $4  }
0xd0: {  	[hbm4b:s7+s3] =	stream.linear.scatter [tilespmem:s14], [sflag:$0x3], $0x8000, $0x38;
	[tilespmem:$0x10100] =	vst v63  }
0xd1: {  	_ =	swait.ge [sflag:s5], $0x8000  }
0xd2: {  	[sflag:s5] =	ssyncset.done $0x0  }
0xd3: {  	s4 =	sadd.s32 $0xFFFFFFFF, s4;
	[sflag:s5] =	ssyncadd.s32 $0xFFFF8000  }
0xd4: {  	_ =	sfence.sel $0x180000  }
0xd5: {  	[bflag:$0x0] =	sbarrier.arrive $0xFFFF  }
0xd6: {  	_ =	strace $0x90000047  }
0xd7: {  	s0 =	stileid.u32;
	[bflag:$0x2] =	sbarrier.arrive $0xFFFF  }
0xd8: {  	p0 =	sne.s32 s0, $0x0;
	s0 =	rddreg [dreg:$0x2]  }
0xd9: {  	s0 =	sadd.s32 @!p0 $0x100000, s0  }
0xda: {  	[sflag:s0] =	ssyncadd.tile.s32 @!p0 $0x1;
	_ =	shalt  }
.Lfunc_end2:
_tile_overlayer_lowered:
.L_overlay_start_2:
0xdb: {  	(tag) =	ssettag $0x2  }
0xdc: {  	s0 =	rddreg [dreg:$0x0];
	s2 =	stileid.u32  }
0xdd: {  	s1 =	rddreg [dreg:$0x1];
	p0 =	sne.s32 s2, $0x0  }
0xde: {  	s3 =	rddreg [dreg:$0x2];
	[bflag:$0x3] =	sbarrier.arrive $0xFFFF;
	s2 =	simm.s32 @!p0 $0x1C03  }
0xdf: {  	[timem:s3], [sflag:s2] =	dma.local @!p0 [hbm:s0], s1  }
0xe0: {  	s0 =	simm.s32 @!p0 $0x3  }
0xe1: {  	_ =	swait.ge @!p0 [sflag:s0], s1  }
0xe2: {  	s1 =	ssub.s32 @!p0 $0x0, s1;
	[sflag:s0] =	ssyncset.done @!p0 $0x0  }
0xe3: {  	[sflag:s0] =	ssyncadd.s32 @!p0 s1  }
0xe4: {  	[bflag:$0x3] =	sbarrier.arrive $0xFFFF  }
0xe5: {  	_ =	shalt  }

</sc_bundles>
